<compile_context>
chip_gen: v7x
topology: tpu7x:2x2x1
jax: 0.10.2.dev20260603
libtpu: 0.0.44.dev20260713+nightly
codegen_flags: <defaults>
</compile_context>

<pallas_src>
import functools

import jax
import jax.numpy as jnp
from jax import lax
from jax.experimental import pallas as pl
from jax.experimental.pallas import tpu as pltpu
from jax.experimental.pallas import tpu_sc as plsc

_B = 256
_R = 16
_NC = 2
_NS = 16
_L = 16
_NW_USED = _B // _L


def _sc_gather(t32, alpha_sq):
    mesh = plsc.VectorSubcoreMesh(core_axis_name="c", subcore_axis_name="s")

    @functools.partial(
        pl.kernel,
        out_type=jax.ShapeDtypeStruct((_B,), jnp.float32),
        mesh=mesh,
        scratch_types=[
            pltpu.VMEM((_L,), jnp.int32),
            pltpu.VMEM((1000,), jnp.float32),
            pltpu.VMEM((_L,), jnp.float32),
        ],
        compiler_params=pltpu.CompilerParams(needs_layout_passes=False),
    )
    def gather_kernel(t_hbm, tab_hbm, out_hbm, idx_v, tab_v, val_v):
        wid = lax.axis_index("s") * _NC + lax.axis_index("c")

        @pl.when(wid < _NW_USED)
        def _():
            base = wid * _L
            pltpu.sync_copy(t_hbm.at[pl.ds(base, _L)], idx_v)
            pltpu.sync_copy(tab_hbm, tab_v)
            val_v[...] = plsc.load_gather(tab_v, [idx_v[...]])
            pltpu.sync_copy(val_v, out_hbm.at[pl.ds(base, _L)])

    return gather_kernel(t32, alpha_sq)


def _tc_body(a_ref, x_ref, e_ref, o_ref):
    i = pl.program_id(0)
    row_ids = jax.lax.broadcasted_iota(jnp.int32, (_R, 1, 1, 1), 0)
    al = jnp.zeros((_R, 1, 1, 1), jnp.float32)
    sg = jnp.zeros((_R, 1, 1, 1), jnp.float32)
    for r in range(_R):
        a = a_ref[i * _R + r]
        al = jnp.where(row_ids == r, jnp.sqrt(a), al)
        sg = jnp.where(row_ids == r, jnp.sqrt(1.0 - a), sg)
    o_ref[...] = al * x_ref[...] + sg * e_ref[...]


def kernel(x, eps, t, alpha_sq):
    t32 = t.astype(jnp.int32)
    a_sel = _sc_gather(t32, alpha_sq)
    blk = (_R,) + x.shape[1:]
    grid_spec = pltpu.PrefetchScalarGridSpec(
        num_scalar_prefetch=1,
        grid=(_B // _R,),
        in_specs=[
            pl.BlockSpec(blk, lambda i, a_ref: (i, 0, 0, 0)),
            pl.BlockSpec(blk, lambda i, a_ref: (i, 0, 0, 0)),
        ],
        out_specs=pl.BlockSpec(blk, lambda i, a_ref: (i, 0, 0, 0)),
    )
    return pl.pallas_call(
        _tc_body,
        grid_spec=grid_spec,
        out_shape=jax.ShapeDtypeStruct(x.shape, x.dtype),
        compiler_params=pltpu.CompilerParams(
            vmem_limit_bytes=100 * 1024 * 1024,
        ),
    )(a_sel, x, eps)

# --- scband reference (transcript-rebuilt; emitter-appended) ---
"""Pipeline reference for scband-beta-scheduler-63445256897036 (READ-ONLY COPY).

The authoritative reference and input builder live on the scoring server;
editing this copy changes nothing except your own understanding.
"""

import jax, jax.numpy as jnp
import numpy as np

N_STEPS = 1000
BETA_START = 1e-4
BETA_END = 0.02


def _make_alpha_sq():
    # linear beta schedule, computed in float64 like the torch module
    beta = np.linspace(BETA_START, BETA_END, N_STEPS, dtype=np.float64)
    alpha_sq = np.cumprod(1.0 - beta)
    return jnp.asarray(alpha_sq.astype(np.float32))


def setup_inputs(seed: int = 0) -> dict:
    key = jax.random.key(seed)
    k1, k2, k3 = jax.random.split(key, 3)
    B = 256
    shape = (B, 4, 128, 128)
    x = jax.random.normal(k1, shape, dtype=jnp.float32)
    eps = jax.random.normal(k2, shape, dtype=jnp.float32)
    t = jax.random.randint(k3, (B,), 0, N_STEPS)
    alpha_sq = _make_alpha_sq()
    return {"x": x, "eps": eps, "t": t, "alpha_sq": alpha_sq}


def reference(x, eps, t, alpha_sq):
    # get_schedule: alpha_sq[t] gather (embedding-style lookup into schedule table)
    a_sq = jnp.take(alpha_sq, t, axis=0)
    sigma_sq = 1.0 - a_sq
    shape = (-1,) + (1,) * (x.ndim - 1)
    alpha_ = jnp.sqrt(a_sq).astype(x.dtype).reshape(shape)
    sigma_ = jnp.sqrt(sigma_sq).astype(x.dtype).reshape(shape)
    x_t = alpha_ * x + sigma_ * eps
    return x_t

if __name__ == "__main__":
    import jax
    _d = setup_inputs()
    print(jax.jit(kernel)(*tuple(_d.values())))

</pallas_src>

<mosaic_0001>
#map = affine_map<(d0, d1) -> (0)>
module attributes {stable_mosaic.version = 14 : i64} {
  func.func @gather_kernel(%arg0: i32, %arg1: i32, %arg2: memref<256xi32, #tpu.memory_space<hbm>>, %arg3: memref<1000xf32, #tpu.memory_space<hbm>>, %arg4: memref<256xf32, #tpu.memory_space<hbm>>, %arg5: memref<16xi32, #tpu.memory_space<vmem>>, %arg6: memref<1000xf32, #tpu.memory_space<vmem>>, %arg7: memref<16xf32, #tpu.memory_space<vmem>>) attributes {dimension_semantics = [#tpu.dimension_semantics<core_parallel>, #tpu.dimension_semantics<subcore_parallel>], iteration_bounds = array<i64: 2, 16>, scalar_prefetch = 0 : i64, scratch_operands = 3 : i64, tpu.core_type = #tpu.core_type<sc_vector_subcore>, window_params = [{transform_indices = #map}, {transform_indices = #map}, {transform_indices = #map}]} {
    %mul3A = arith.constant 2 : i32
    %mul3A_0 = arith.muli %arg1, %mul3A : i32
    %add3A = arith.addi %mul3A_0, %arg0 : i32
    %lt3A = arith.constant 16 : i32
    %lt3A_1 = arith.cmpi slt, %add3A, %lt3A : i32
    %convert_element_type3A = arith.extui %lt3A_1 : i1 to i32
    %cond3A = arith.constant 0 : i32
    %cond3A_2 = arith.cmpi ne, %convert_element_type3A, %cond3A : i32
    scf.if %cond3A_2 {
      %mul3A_3 = arith.constant 16 : i32
      %mul3A_4 = arith.muli %add3A, %mul3A_3 : i32
      "tpu.region"() ({
        %run_scoped3A = tpu.sem_alloc : memref<!tpu.dma_semaphore, #tpu.memory_space<semaphore_mem>>
        %dma_start3A = tpu.memref_slice %arg2[%mul3A_4] : memref<256xi32, #tpu.memory_space<hbm>> -> memref<16xi32, #tpu.memory_space<hbm>>
        %dma_start3A_7 = tpu.memref_slice %arg2[%mul3A_4] : memref<256xi32, #tpu.memory_space<hbm>> -> memref<16xi32, #tpu.memory_space<hbm>>
        tpu.enqueue_dma source(%dma_start3A_7 : memref<16xi32, #tpu.memory_space<hbm>>) target(%arg5 : memref<16xi32, #tpu.memory_space<vmem>>) target_semaphore(%run_scoped3A : memref<!tpu.dma_semaphore, #tpu.memory_space<semaphore_mem>>)
        %dma_wait3A = tpu.memref_slice %arg2[%mul3A_4] : memref<256xi32, #tpu.memory_space<hbm>> -> memref<16xi32, #tpu.memory_space<hbm>>
        %dma_wait3A_8 = tpu.memref_slice %arg2[%mul3A_4] : memref<256xi32, #tpu.memory_space<hbm>> -> memref<16xi32, #tpu.memory_space<hbm>>
        tpu.wait_dma2 semaphore(%run_scoped3A : memref<!tpu.dma_semaphore, #tpu.memory_space<semaphore_mem>>) src(%dma_wait3A_8 : memref<16xi32, #tpu.memory_space<hbm>>) dst(%arg5 : memref<16xi32, #tpu.memory_space<vmem>>)
        tpu.yield
      }) : () -> ()
      "tpu.region"() ({
        %run_scoped3A = tpu.sem_alloc : memref<!tpu.dma_semaphore, #tpu.memory_space<semaphore_mem>>
        tpu.enqueue_dma source(%arg3 : memref<1000xf32, #tpu.memory_space<hbm>>) target(%arg6 : memref<1000xf32, #tpu.memory_space<vmem>>) target_semaphore(%run_scoped3A : memref<!tpu.dma_semaphore, #tpu.memory_space<semaphore_mem>>)
        tpu.wait_dma2 semaphore(%run_scoped3A : memref<!tpu.dma_semaphore, #tpu.memory_space<semaphore_mem>>) src(%arg3 : memref<1000xf32, #tpu.memory_space<hbm>>) dst(%arg6 : memref<1000xf32, #tpu.memory_space<vmem>>)
        tpu.yield
      }) : () -> ()
      %get3A = arith.constant 0 : index
      %get3A_5 = tpu.vector_load %arg5[%get3A] {strides = array<i32>} : memref<16xi32, #tpu.memory_space<vmem>>, vector<16xi32>,
      %gather3A = tpu.vector_load_idx %arg6[%get3A_5] : memref<1000xf32, #tpu.memory_space<vmem>>[vector<16xi32>], vector<16xf32>,
      %swap3A = arith.constant 0 : index
      %swap3A_6 = tpu.vector_load %arg7[%swap3A] {strides = array<i32>} : memref<16xf32, #tpu.memory_space<vmem>>, vector<16xf32>,
      tpu.vector_store %arg7[%swap3A], %gather3A {strides = array<i32>} : memref<16xf32, #tpu.memory_space<vmem>>, vector<16xf32>,
      "tpu.region"() ({
        %run_scoped3A = tpu.sem_alloc : memref<!tpu.dma_semaphore, #tpu.memory_space<semaphore_mem>>
        %dma_start3A = tpu.memref_slice %arg4[%mul3A_4] : memref<256xf32, #tpu.memory_space<hbm>> -> memref<16xf32, #tpu.memory_space<hbm>>
        %dma_start3A_7 = tpu.memref_slice %arg4[%mul3A_4] : memref<256xf32, #tpu.memory_space<hbm>> -> memref<16xf32, #tpu.memory_space<hbm>>
        tpu.enqueue_dma source(%arg7 : memref<16xf32, #tpu.memory_space<vmem>>) target(%dma_start3A_7 : memref<16xf32, #tpu.memory_space<hbm>>) target_semaphore(%run_scoped3A : memref<!tpu.dma_semaphore, #tpu.memory_space<semaphore_mem>>)
        %dma_wait3A = tpu.memref_slice %arg4[%mul3A_4] : memref<256xf32, #tpu.memory_space<hbm>> -> memref<16xf32, #tpu.memory_space<hbm>>
        %dma_wait3A_8 = tpu.memref_slice %arg4[%mul3A_4] : memref<256xf32, #tpu.memory_space<hbm>> -> memref<16xf32, #tpu.memory_space<hbm>>
        tpu.wait_dma2 semaphore(%run_scoped3A : memref<!tpu.dma_semaphore, #tpu.memory_space<semaphore_mem>>) src(%arg7 : memref<16xf32, #tpu.memory_space<vmem>>) dst(%dma_wait3A_8 : memref<16xf32, #tpu.memory_space<hbm>>)
        tpu.yield
      }) : () -> ()
    } else {
    }
    return
  }
}

module attributes {stable_mosaic.version = 14 : i64} {
  func.func @_tc_body(%arg0: i32, %arg1: memref<256xf32, #tpu.memory_space<smem>>, %arg2: memref<16x4x128x128xf32, #tpu.memory_space<vmem>>, %arg3: memref<16x4x128x128xf32, #tpu.memory_space<vmem>>, %arg4: memref<16x4x128x128xf32, #tpu.memory_space<vmem>>) attributes {dimension_semantics = [#tpu.dimension_semantics<arbitrary>], iteration_bounds = array<i64: 16>, scalar_prefetch = 1 : i64, scratch_operands = 0 : i64, tpu.core_type = #tpu.core_type<tc>, window_params = [{transform_indices = @transform_0, window_bounds = array<i64: 16, 4, 128, 128>}, {transform_indices = @transform_1, window_bounds = array<i64: 16, 4, 128, 128>}, {transform_indices = @transform_2, window_bounds = array<i64: 16, 4, 128, 128>}]} {
    %iota3A = tpu.iota {dimensions = array<i32: 0>} : vector<16x1x1x1xi32>
    %broadcast_in_dim3A = arith.constant 0.000000e+00 : f32
    %broadcast_in_dim3A_0 = vector.broadcast %broadcast_in_dim3A : f32 to vector<16x1x1x1xf32>
    %broadcast_in_dim3A_1 = arith.constant 0.000000e+00 : f32
    %broadcast_in_dim3A_2 = vector.broadcast %broadcast_in_dim3A_1 : f32 to vector<16x1x1x1xf32>
    %mul3A = arith.constant 16 : i32
    %mul3A_3 = arith.muli %arg0, %mul3A : i32
    %add3A = arith.constant 0 : i32
    %add3A_4 = arith.addi %mul3A_3, %add3A : i32
    %get3A = arith.index_cast %add3A_4 : i32 to index
    %get3A_5 = memref.load %arg1[%get3A] : memref<256xf32, #tpu.memory_space<smem>>
    %eq3A = arith.constant 0 : i32
    %eq3A_6 = vector.broadcast %eq3A : i32 to vector<16x1x1x1xi32>
    %eq3A_7 = arith.cmpi eq, %iota3A, %eq3A_6 : vector<16x1x1x1xi32>
    %sqrt3A = math.sqrt %get3A_5 : f32
    %broadcast_in_dim3A_8 = vector.broadcast %sqrt3A : f32 to vector<16x1x1x1xf32>
    %select_n3A = arith.select %eq3A_7, %broadcast_in_dim3A_8, %broadcast_in_dim3A_0 : vector<16x1x1x1xi1>, vector<16x1x1x1xf32>
    %eq3A_9 = arith.constant 0 : i32
    %eq3A_10 = vector.broadcast %eq3A_9 : i32 to vector<16x1x1x1xi32>
    %eq3A_11 = arith.cmpi eq, %iota3A, %eq3A_10 : vector<16x1x1x1xi32>
    %sub3A = arith.constant 1.000000e+00 : f32
    %sub3A_12 = arith.subf %sub3A, %get3A_5 : f32
    %sqrt3A_13 = math.sqrt %sub3A_12 : f32
    %broadcast_in_dim3A_14 = vector.broadcast %sqrt3A_13 : f32 to vector<16x1x1x1xf32>
    %select_n3A_15 = arith.select %eq3A_11, %broadcast_in_dim3A_14, %broadcast_in_dim3A_2 : vector<16x1x1x1xi1>, vector<16x1x1x1xf32>
    %mul3A_16 = arith.constant 16 : i32
    %mul3A_17 = arith.muli %arg0, %mul3A_16 : i32
    %add3A_18 = arith.constant 1 : i32
    %add3A_19 = arith.addi %mul3A_17, %add3A_18 : i32
    %get3A_20 = arith.index_cast %add3A_19 : i32 to index
    %get3A_21 = memref.load %arg1[%get3A_20] : memref<256xf32, #tpu.memory_space<smem>>
    %eq3A_22 = arith.constant 1 : i32
    %eq3A_23 = vector.broadcast %eq3A_22 : i32 to vector<16x1x1x1xi32>
    %eq3A_24 = arith.cmpi eq, %iota3A, %eq3A_23 : vector<16x1x1x1xi32>
    %sqrt3A_25 = math.sqrt %get3A_21 : f32
    %broadcast_in_dim3A_26 = vector.broadcast %sqrt3A_25 : f32 to vector<16x1x1x1xf32>
    %select_n3A_27 = arith.select %eq3A_24, %broadcast_in_dim3A_26, %select_n3A : vector<16x1x1x1xi1>, vector<16x1x1x1xf32>
    %eq3A_28 = arith.constant 1 : i32
    %eq3A_29 = vector.broadcast %eq3A_28 : i32 to vector<16x1x1x1xi32>
    %eq3A_30 = arith.cmpi eq, %iota3A, %eq3A_29 : vector<16x1x1x1xi32>
    %sub3A_31 = arith.constant 1.000000e+00 : f32
    %sub3A_32 = arith.subf %sub3A_31, %get3A_21 : f32
    %sqrt3A_33 = math.sqrt %sub3A_32 : f32
    %broadcast_in_dim3A_34 = vector.broadcast %sqrt3A_33 : f32 to vector<16x1x1x1xf32>
    %select_n3A_35 = arith.select %eq3A_30, %broadcast_in_dim3A_34, %select_n3A_15 : vector<16x1x1x1xi1>, vector<16x1x1x1xf32>
    %mul3A_36 = arith.constant 16 : i32
    %mul3A_37 = arith.muli %arg0, %mul3A_36 : i32
    %add3A_38 = arith.constant 2 : i32
    %add3A_39 = arith.addi %mul3A_37, %add3A_38 : i32
    %get3A_40 = arith.index_cast %add3A_39 : i32 to index
    %get3A_41 = memref.load %arg1[%get3A_40] : memref<256xf32, #tpu.memory_space<smem>>
    %eq3A_42 = arith.constant 2 : i32
    %eq3A_43 = vector.broadcast %eq3A_42 : i32 to vector<16x1x1x1xi32>
    %eq3A_44 = arith.cmpi eq, %iota3A, %eq3A_43 : vector<16x1x1x1xi32>
    %sqrt3A_45 = math.sqrt %get3A_41 : f32
    %broadcast_in_dim3A_46 = vector.broadcast %sqrt3A_45 : f32 to vector<16x1x1x1xf32>
    %select_n3A_47 = arith.select %eq3A_44, %broadcast_in_dim3A_46, %select_n3A_27 : vector<16x1x1x1xi1>, vector<16x1x1x1xf32>
    %eq3A_48 = arith.constant 2 : i32
    %eq3A_49 = vector.broadcast %eq3A_48 : i32 to vector<16x1x1x1xi32>
    %eq3A_50 = arith.cmpi eq, %iota3A, %eq3A_49 : vector<16x1x1x1xi32>
    %sub3A_51 = arith.constant 1.000000e+00 : f32
    %sub3A_52 = arith.subf %sub3A_51, %get3A_41 : f32
    %sqrt3A_53 = math.sqrt %sub3A_52 : f32
    %broadcast_in_dim3A_54 = vector.broadcast %sqrt3A_53 : f32 to vector<16x1x1x1xf32>
    %select_n3A_55 = arith.select %eq3A_50, %broadcast_in_dim3A_54, %select_n3A_35 : vector<16x1x1x1xi1>, vector<16x1x1x1xf32>
    %mul3A_56 = arith.constant 16 : i32
    %mul3A_57 = arith.muli %arg0, %mul3A_56 : i32
    %add3A_58 = arith.constant 3 : i32
    %add3A_59 = arith.addi %mul3A_57, %add3A_58 : i32
    %get3A_60 = arith.index_cast %add3A_59 : i32 to index
    %get3A_61 = memref.load %arg1[%get3A_60] : memref<256xf32, #tpu.memory_space<smem>>
    %eq3A_62 = arith.constant 3 : i32
    %eq3A_63 = vector.broadcast %eq3A_62 : i32 to vector<16x1x1x1xi32>
    %eq3A_64 = arith.cmpi eq, %iota3A, %eq3A_63 : vector<16x1x1x1xi32>
    %sqrt3A_65 = math.sqrt %get3A_61 : f32
    %broadcast_in_dim3A_66 = vector.broadcast %sqrt3A_65 : f32 to vector<16x1x1x1xf32>
    %select_n3A_67 = arith.select %eq3A_64, %broadcast_in_dim3A_66, %select_n3A_47 : vector<16x1x1x1xi1>, vector<16x1x1x1xf32>
    %eq3A_68 = arith.constant 3 : i32
    %eq3A_69 = vector.broadcast %eq3A_68 : i32 to vector<16x1x1x1xi32>
    %eq3A_70 = arith.cmpi eq, %iota3A, %eq3A_69 : vector<16x1x1x1xi32>
    %sub3A_71 = arith.constant 1.000000e+00 : f32
    %sub3A_72 = arith.subf %sub3A_71, %get3A_61 : f32
    %sqrt3A_73 = math.sqrt %sub3A_72 : f32
    %broadcast_in_dim3A_74 = vector.broadcast %sqrt3A_73 : f32 to vector<16x1x1x1xf32>
    %select_n3A_75 = arith.select %eq3A_70, %broadcast_in_dim3A_74, %select_n3A_55 : vector<16x1x1x1xi1>, vector<16x1x1x1xf32>
    %mul3A_76 = arith.constant 16 : i32
    %mul3A_77 = arith.muli %arg0, %mul3A_76 : i32
    %add3A_78 = arith.constant 4 : i32
    %add3A_79 = arith.addi %mul3A_77, %add3A_78 : i32
    %get3A_80 = arith.index_cast %add3A_79 : i32 to index
    %get3A_81 = memref.load %arg1[%get3A_80] : memref<256xf32, #tpu.memory_space<smem>>
    %eq3A_82 = arith.constant 4 : i32
    %eq3A_83 = vector.broadcast %eq3A_82 : i32 to vector<16x1x1x1xi32>
    %eq3A_84 = arith.cmpi eq, %iota3A, %eq3A_83 : vector<16x1x1x1xi32>
    %sqrt3A_85 = math.sqrt %get3A_81 : f32
    %broadcast_in_dim3A_86 = vector.broadcast %sqrt3A_85 : f32 to vector<16x1x1x1xf32>
    %select_n3A_87 = arith.select %eq3A_84, %broadcast_in_dim3A_86, %select_n3A_67 : vector<16x1x1x1xi1>, vector<16x1x1x1xf32>
    %eq3A_88 = arith.constant 4 : i32
    %eq3A_89 = vector.broadcast %eq3A_88 : i32 to vector<16x1x1x1xi32>
    %eq3A_90 = arith.cmpi eq, %iota3A, %eq3A_89 : vector<16x1x1x1xi32>
    %sub3A_91 = arith.constant 1.000000e+00 : f32
    %sub3A_92 = arith.subf %sub3A_91, %get3A_81 : f32
    %sqrt3A_93 = math.sqrt %sub3A_92 : f32
    %broadcast_in_dim3A_94 = vector.broadcast %sqrt3A_93 : f32 to vector<16x1x1x1xf32>
    %select_n3A_95 = arith.select %eq3A_90, %broadcast_in_dim3A_94, %select_n3A_75 : vector<16x1x1x1xi1>, vector<16x1x1x1xf32>
    %mul3A_96 = arith.constant 16 : i32
    %mul3A_97 = arith.muli %arg0, %mul3A_96 : i32
    %add3A_98 = arith.constant 5 : i32
    %add3A_99 = arith.addi %mul3A_97, %add3A_98 : i32
    %get3A_100 = arith.index_cast %add3A_99 : i32 to index
    %get3A_101 = memref.load %arg1[%get3A_100] : memref<256xf32, #tpu.memory_space<smem>>
    %eq3A_102 = arith.constant 5 : i32
    %eq3A_103 = vector.broadcast %eq3A_102 : i32 to vector<16x1x1x1xi32>
    %eq3A_104 = arith.cmpi eq, %iota3A, %eq3A_103 : vector<16x1x1x1xi32>
    %sqrt3A_105 = math.sqrt %get3A_101 : f32
    %broadcast_in_dim3A_106 = vector.broadcast %sqrt3A_105 : f32 to vector<16x1x1x1xf32>
    %select_n3A_107 = arith.select %eq3A_104, %broadcast_in_dim3A_106, %select_n3A_87 : vector<16x1x1x1xi1>, vector<16x1x1x1xf32>
    %eq3A_108 = arith.constant 5 : i32
    %eq3A_109 = vector.broadcast %eq3A_108 : i32 to vector<16x1x1x1xi32>
    %eq3A_110 = arith.cmpi eq, %iota3A, %eq3A_109 : vector<16x1x1x1xi32>
    %sub3A_111 = arith.constant 1.000000e+00 : f32
    %sub3A_112 = arith.subf %sub3A_111, %get3A_101 : f32
    %sqrt3A_113 = math.sqrt %sub3A_112 : f32
    %broadcast_in_dim3A_114 = vector.broadcast %sqrt3A_113 : f32 to vector<16x1x1x1xf32>
    %select_n3A_115 = arith.select %eq3A_110, %broadcast_in_dim3A_114, %select_n3A_95 : vector<16x1x1x1xi1>, vector<16x1x1x1xf32>
    %mul3A_116 = arith.constant 16 : i32
    %mul3A_117 = arith.muli %arg0, %mul3A_116 : i32
    %add3A_118 = arith.constant 6 : i32
    %add3A_119 = arith.addi %mul3A_117, %add3A_118 : i32
    %get3A_120 = arith.index_cast %add3A_119 : i32 to index
    %get3A_121 = memref.load %arg1[%get3A_120] : memref<256xf32, #tpu.memory_space<smem>>
    %eq3A_122 = arith.constant 6 : i32
    %eq3A_123 = vector.broadcast %eq3A_122 : i32 to vector<16x1x1x1xi32>
    %eq3A_124 = arith.cmpi eq, %iota3A, %eq3A_123 : vector<16x1x1x1xi32>
    %sqrt3A_125 = math.sqrt %get3A_121 : f32
    %broadcast_in_dim3A_126 = vector.broadcast %sqrt3A_125 : f32 to vector<16x1x1x1xf32>
    %select_n3A_127 = arith.select %eq3A_124, %broadcast_in_dim3A_126, %select_n3A_107 : vector<16x1x1x1xi1>, vector<16x1x1x1xf32>
    %eq3A_128 = arith.constant 6 : i32
    %eq3A_129 = vector.broadcast %eq3A_128 : i32 to vector<16x1x1x1xi32>
    %eq3A_130 = arith.cmpi eq, %iota3A, %eq3A_129 : vector<16x1x1x1xi32>
    %sub3A_131 = arith.constant 1.000000e+00 : f32
    %sub3A_132 = arith.subf %sub3A_131, %get3A_121 : f32
    %sqrt3A_133 = math.sqrt %sub3A_132 : f32
    %broadcast_in_dim3A_134 = vector.broadcast %sqrt3A_133 : f32 to vector<16x1x1x1xf32>
    %select_n3A_135 = arith.select %eq3A_130, %broadcast_in_dim3A_134, %select_n3A_115 : vector<16x1x1x1xi1>, vector<16x1x1x1xf32>
    %mul3A_136 = arith.constant 16 : i32
    %mul3A_137 = arith.muli %arg0, %mul3A_136 : i32
    %add3A_138 = arith.constant 7 : i32
    %add3A_139 = arith.addi %mul3A_137, %add3A_138 : i32
    %get3A_140 = arith.index_cast %add3A_139 : i32 to index
    %get3A_141 = memref.load %arg1[%get3A_140] : memref<256xf32, #tpu.memory_space<smem>>
    %eq3A_142 = arith.constant 7 : i32
    %eq3A_143 = vector.broadcast %eq3A_142 : i32 to vector<16x1x1x1xi32>
    %eq3A_144 = arith.cmpi eq, %iota3A, %eq3A_143 : vector<16x1x1x1xi32>
    %sqrt3A_145 = math.sqrt %get3A_141 : f32
    %broadcast_in_dim3A_146 = vector.broadcast %sqrt3A_145 : f32 to vector<16x1x1x1xf32>
    %select_n3A_147 = arith.select %eq3A_144, %broadcast_in_dim3A_146, %select_n3A_127 : vector<16x1x1x1xi1>, vector<16x1x1x1xf32>
    %eq3A_148 = arith.constant 7 : i32
    %eq3A_149 = vector.broadcast %eq3A_148 : i32 to vector<16x1x1x1xi32>
    %eq3A_150 = arith.cmpi eq, %iota3A, %eq3A_149 : vector<16x1x1x1xi32>
    %sub3A_151 = arith.constant 1.000000e+00 : f32
    %sub3A_152 = arith.subf %sub3A_151, %get3A_141 : f32
    %sqrt3A_153 = math.sqrt %sub3A_152 : f32
    %broadcast_in_dim3A_154 = vector.broadcast %sqrt3A_153 : f32 to vector<16x1x1x1xf32>
    %select_n3A_155 = arith.select %eq3A_150, %broadcast_in_dim3A_154, %select_n3A_135 : vector<16x1x1x1xi1>, vector<16x1x1x1xf32>
    %mul3A_156 = arith.constant 16 : i32
    %mul3A_157 = arith.muli %arg0, %mul3A_156 : i32
    %add3A_158 = arith.constant 8 : i32
    %add3A_159 = arith.addi %mul3A_157, %add3A_158 : i32
    %get3A_160 = arith.index_cast %add3A_159 : i32 to index
    %get3A_161 = memref.load %arg1[%get3A_160] : memref<256xf32, #tpu.memory_space<smem>>
    %eq3A_162 = arith.constant 8 : i32
    %eq3A_163 = vector.broadcast %eq3A_162 : i32 to vector<16x1x1x1xi32>
    %eq3A_164 = arith.cmpi eq, %iota3A, %eq3A_163 : vector<16x1x1x1xi32>
    %sqrt3A_165 = math.sqrt %get3A_161 : f32
    %broadcast_in_dim3A_166 = vector.broadcast %sqrt3A_165 : f32 to vector<16x1x1x1xf32>
    %select_n3A_167 = arith.select %eq3A_164, %broadcast_in_dim3A_166, %select_n3A_147 : vector<16x1x1x1xi1>, vector<16x1x1x1xf32>
    %eq3A_168 = arith.constant 8 : i32
    %eq3A_169 = vector.broadcast %eq3A_168 : i32 to vector<16x1x1x1xi32>
    %eq3A_170 = arith.cmpi eq, %iota3A, %eq3A_169 : vector<16x1x1x1xi32>
    %sub3A_171 = arith.constant 1.000000e+00 : f32
    %sub3A_172 = arith.subf %sub3A_171, %get3A_161 : f32
    %sqrt3A_173 = math.sqrt %sub3A_172 : f32
    %broadcast_in_dim3A_174 = vector.broadcast %sqrt3A_173 : f32 to vector<16x1x1x1xf32>
    %select_n3A_175 = arith.select %eq3A_170, %broadcast_in_dim3A_174, %select_n3A_155 : vector<16x1x1x1xi1>, vector<16x1x1x1xf32>
    %mul3A_176 = arith.constant 16 : i32
    %mul3A_177 = arith.muli %arg0, %mul3A_176 : i32
    %add3A_178 = arith.constant 9 : i32
    %add3A_179 = arith.addi %mul3A_177, %add3A_178 : i32
    %get3A_180 = arith.index_cast %add3A_179 : i32 to index
    %get3A_181 = memref.load %arg1[%get3A_180] : memref<256xf32, #tpu.memory_space<smem>>
    %eq3A_182 = arith.constant 9 : i32
    %eq3A_183 = vector.broadcast %eq3A_182 : i32 to vector<16x1x1x1xi32>
    %eq3A_184 = arith.cmpi eq, %iota3A, %eq3A_183 : vector<16x1x1x1xi32>
    %sqrt3A_185 = math.sqrt %get3A_181 : f32
    %broadcast_in_dim3A_186 = vector.broadcast %sqrt3A_185 : f32 to vector<16x1x1x1xf32>
    %select_n3A_187 = arith.select %eq3A_184, %broadcast_in_dim3A_186, %select_n3A_167 : vector<16x1x1x1xi1>, vector<16x1x1x1xf32>
    %eq3A_188 = arith.constant 9 : i32
    %eq3A_189 = vector.broadcast %eq3A_188 : i32 to vector<16x1x1x1xi32>
    %eq3A_190 = arith.cmpi eq, %iota3A, %eq3A_189 : vector<16x1x1x1xi32>
    %sub3A_191 = arith.constant 1.000000e+00 : f32
    %sub3A_192 = arith.subf %sub3A_191, %get3A_181 : f32
    %sqrt3A_193 = math.sqrt %sub3A_192 : f32
    %broadcast_in_dim3A_194 = vector.broadcast %sqrt3A_193 : f32 to vector<16x1x1x1xf32>
    %select_n3A_195 = arith.select %eq3A_190, %broadcast_in_dim3A_194, %select_n3A_175 : vector<16x1x1x1xi1>, vector<16x1x1x1xf32>
    %mul3A_196 = arith.constant 16 : i32
    %mul3A_197 = arith.muli %arg0, %mul3A_196 : i32
    %add3A_198 = arith.constant 10 : i32
    %add3A_199 = arith.addi %mul3A_197, %add3A_198 : i32
    %get3A_200 = arith.index_cast %add3A_199 : i32 to index
    %get3A_201 = memref.load %arg1[%get3A_200] : memref<256xf32, #tpu.memory_space<smem>>
    %eq3A_202 = arith.constant 10 : i32
    %eq3A_203 = vector.broadcast %eq3A_202 : i32 to vector<16x1x1x1xi32>
    %eq3A_204 = arith.cmpi eq, %iota3A, %eq3A_203 : vector<16x1x1x1xi32>
    %sqrt3A_205 = math.sqrt %get3A_201 : f32
    %broadcast_in_dim3A_206 = vector.broadcast %sqrt3A_205 : f32 to vector<16x1x1x1xf32>
    %select_n3A_207 = arith.select %eq3A_204, %broadcast_in_dim3A_206, %select_n3A_187 : vector<16x1x1x1xi1>, vector<16x1x1x1xf32>
    %eq3A_208 = arith.constant 10 : i32
    %eq3A_209 = vector.broadcast %eq3A_208 : i32 to vector<16x1x1x1xi32>
    %eq3A_210 = arith.cmpi eq, %iota3A, %eq3A_209 : vector<16x1x1x1xi32>
    %sub3A_211 = arith.constant 1.000000e+00 : f32
    %sub3A_212 = arith.subf %sub3A_211, %get3A_201 : f32
    %sqrt3A_213 = math.sqrt %sub3A_212 : f32
    %broadcast_in_dim3A_214 = vector.broadcast %sqrt3A_213 : f32 to vector<16x1x1x1xf32>
    %select_n3A_215 = arith.select %eq3A_210, %broadcast_in_dim3A_214, %select_n3A_195 : vector<16x1x1x1xi1>, vector<16x1x1x1xf32>
    %mul3A_216 = arith.constant 16 : i32
    %mul3A_217 = arith.muli %arg0, %mul3A_216 : i32
    %add3A_218 = arith.constant 11 : i32
    %add3A_219 = arith.addi %mul3A_217, %add3A_218 : i32
    %get3A_220 = arith.index_cast %add3A_219 : i32 to index
    %get3A_221 = memref.load %arg1[%get3A_220] : memref<256xf32, #tpu.memory_space<smem>>
    %eq3A_222 = arith.constant 11 : i32
    %eq3A_223 = vector.broadcast %eq3A_222 : i32 to vector<16x1x1x1xi32>
    %eq3A_224 = arith.cmpi eq, %iota3A, %eq3A_223 : vector<16x1x1x1xi32>
    %sqrt3A_225 = math.sqrt %get3A_221 : f32
    %broadcast_in_dim3A_226 = vector.broadcast %sqrt3A_225 : f32 to vector<16x1x1x1xf32>
    %select_n3A_227 = arith.select %eq3A_224, %broadcast_in_dim3A_226, %select_n3A_207 : vector<16x1x1x1xi1>, vector<16x1x1x1xf32>
    %eq3A_228 = arith.constant 11 : i32
    %eq3A_229 = vector.broadcast %eq3A_228 : i32 to vector<16x1x1x1xi32>
    %eq3A_230 = arith.cmpi eq, %iota3A, %eq3A_229 : vector<16x1x1x1xi32>
    %sub3A_231 = arith.constant 1.000000e+00 : f32
    %sub3A_232 = arith.subf %sub3A_231, %get3A_221 : f32
    %sqrt3A_233 = math.sqrt %sub3A_232 : f32
    %broadcast_in_dim3A_234 = vector.broadcast %sqrt3A_233 : f32 to vector<16x1x1x1xf32>
    %select_n3A_235 = arith.select %eq3A_230, %broadcast_in_dim3A_234, %select_n3A_215 : vector<16x1x1x1xi1>, vector<16x1x1x1xf32>
    %mul3A_236 = arith.constant 16 : i32
    %mul3A_237 = arith.muli %arg0, %mul3A_236 : i32
    %add3A_238 = arith.constant 12 : i32
    %add3A_239 = arith.addi %mul3A_237, %add3A_238 : i32
    %get3A_240 = arith.index_cast %add3A_239 : i32 to index
    %get3A_241 = memref.load %arg1[%get3A_240] : memref<256xf32, #tpu.memory_space<smem>>
    %eq3A_242 = arith.constant 12 : i32
    %eq3A_243 = vector.broadcast %eq3A_242 : i32 to vector<16x1x1x1xi32>
    %eq3A_244 = arith.cmpi eq, %iota3A, %eq3A_243 : vector<16x1x1x1xi32>
    %sqrt3A_245 = math.sqrt %get3A_241 : f32
    %broadcast_in_dim3A_246 = vector.broadcast %sqrt3A_245 : f32 to vector<16x1x1x1xf32>
    %select_n3A_247 = arith.select %eq3A_244, %broadcast_in_dim3A_246, %select_n3A_227 : vector<16x1x1x1xi1>, vector<16x1x1x1xf32>
    %eq3A_248 = arith.constant 12 : i32
    %eq3A_249 = vector.broadcast %eq3A_248 : i32 to vector<16x1x1x1xi32>
    %eq3A_250 = arith.cmpi eq, %iota3A, %eq3A_249 : vector<16x1x1x1xi32>
    %sub3A_251 = arith.constant 1.000000e+00 : f32
    %sub3A_252 = arith.subf %sub3A_251, %get3A_241 : f32
    %sqrt3A_253 = math.sqrt %sub3A_252 : f32
    %broadcast_in_dim3A_254 = vector.broadcast %sqrt3A_253 : f32 to vector<16x1x1x1xf32>
    %select_n3A_255 = arith.select %eq3A_250, %broadcast_in_dim3A_254, %select_n3A_235 : vector<16x1x1x1xi1>, vector<16x1x1x1xf32>
    %mul3A_256 = arith.constant 16 : i32
    %mul3A_257 = arith.muli %arg0, %mul3A_256 : i32
    %add3A_258 = arith.constant 13 : i32
    %add3A_259 = arith.addi %mul3A_257, %add3A_258 : i32
    %get3A_260 = arith.index_cast %add3A_259 : i32 to index
    %get3A_261 = memref.load %arg1[%get3A_260] : memref<256xf32, #tpu.memory_space<smem>>
    %eq3A_262 = arith.constant 13 : i32
    %eq3A_263 = vector.broadcast %eq3A_262 : i32 to vector<16x1x1x1xi32>
    %eq3A_264 = arith.cmpi eq, %iota3A, %eq3A_263 : vector<16x1x1x1xi32>
    %sqrt3A_265 = math.sqrt %get3A_261 : f32
    %broadcast_in_dim3A_266 = vector.broadcast %sqrt3A_265 : f32 to vector<16x1x1x1xf32>
    %select_n3A_267 = arith.select %eq3A_264, %broadcast_in_dim3A_266, %select_n3A_247 : vector<16x1x1x1xi1>, vector<16x1x1x1xf32>
    %eq3A_268 = arith.constant 13 : i32
    %eq3A_269 = vector.broadcast %eq3A_268 : i32 to vector<16x1x1x1xi32>
    %eq3A_270 = arith.cmpi eq, %iota3A, %eq3A_269 : vector<16x1x1x1xi32>
    %sub3A_271 = arith.constant 1.000000e+00 : f32
    %sub3A_272 = arith.subf %sub3A_271, %get3A_261 : f32
    %sqrt3A_273 = math.sqrt %sub3A_272 : f32
    %broadcast_in_dim3A_274 = vector.broadcast %sqrt3A_273 : f32 to vector<16x1x1x1xf32>
    %select_n3A_275 = arith.select %eq3A_270, %broadcast_in_dim3A_274, %select_n3A_255 : vector<16x1x1x1xi1>, vector<16x1x1x1xf32>
    %mul3A_276 = arith.constant 16 : i32
    %mul3A_277 = arith.muli %arg0, %mul3A_276 : i32
    %add3A_278 = arith.constant 14 : i32
    %add3A_279 = arith.addi %mul3A_277, %add3A_278 : i32
    %get3A_280 = arith.index_cast %add3A_279 : i32 to index
    %get3A_281 = memref.load %arg1[%get3A_280] : memref<256xf32, #tpu.memory_space<smem>>
    %eq3A_282 = arith.constant 14 : i32
    %eq3A_283 = vector.broadcast %eq3A_282 : i32 to vector<16x1x1x1xi32>
    %eq3A_284 = arith.cmpi eq, %iota3A, %eq3A_283 : vector<16x1x1x1xi32>
    %sqrt3A_285 = math.sqrt %get3A_281 : f32
    %broadcast_in_dim3A_286 = vector.broadcast %sqrt3A_285 : f32 to vector<16x1x1x1xf32>
    %select_n3A_287 = arith.select %eq3A_284, %broadcast_in_dim3A_286, %select_n3A_267 : vector<16x1x1x1xi1>, vector<16x1x1x1xf32>
    %eq3A_288 = arith.constant 14 : i32
    %eq3A_289 = vector.broadcast %eq3A_288 : i32 to vector<16x1x1x1xi32>
    %eq3A_290 = arith.cmpi eq, %iota3A, %eq3A_289 : vector<16x1x1x1xi32>
    %sub3A_291 = arith.constant 1.000000e+00 : f32
    %sub3A_292 = arith.subf %sub3A_291, %get3A_281 : f32
    %sqrt3A_293 = math.sqrt %sub3A_292 : f32
    %broadcast_in_dim3A_294 = vector.broadcast %sqrt3A_293 : f32 to vector<16x1x1x1xf32>
    %select_n3A_295 = arith.select %eq3A_290, %broadcast_in_dim3A_294, %select_n3A_275 : vector<16x1x1x1xi1>, vector<16x1x1x1xf32>
    %mul3A_296 = arith.constant 16 : i32
    %mul3A_297 = arith.muli %arg0, %mul3A_296 : i32
    %add3A_298 = arith.constant 15 : i32
    %add3A_299 = arith.addi %mul3A_297, %add3A_298 : i32
    %get3A_300 = arith.index_cast %add3A_299 : i32 to index
    %get3A_301 = memref.load %arg1[%get3A_300] : memref<256xf32, #tpu.memory_space<smem>>
    %eq3A_302 = arith.constant 15 : i32
    %eq3A_303 = vector.broadcast %eq3A_302 : i32 to vector<16x1x1x1xi32>
    %eq3A_304 = arith.cmpi eq, %iota3A, %eq3A_303 : vector<16x1x1x1xi32>
    %sqrt3A_305 = math.sqrt %get3A_301 : f32
    %broadcast_in_dim3A_306 = vector.broadcast %sqrt3A_305 : f32 to vector<16x1x1x1xf32>
    %select_n3A_307 = arith.select %eq3A_304, %broadcast_in_dim3A_306, %select_n3A_287 : vector<16x1x1x1xi1>, vector<16x1x1x1xf32>
    %eq3A_308 = arith.constant 15 : i32
    %eq3A_309 = vector.broadcast %eq3A_308 : i32 to vector<16x1x1x1xi32>
    %eq3A_310 = arith.cmpi eq, %iota3A, %eq3A_309 : vector<16x1x1x1xi32>
    %sub3A_311 = arith.constant 1.000000e+00 : f32
    %sub3A_312 = arith.subf %sub3A_311, %get3A_301 : f32
    %sqrt3A_313 = math.sqrt %sub3A_312 : f32
    %broadcast_in_dim3A_314 = vector.broadcast %sqrt3A_313 : f32 to vector<16x1x1x1xf32>
    %select_n3A_315 = arith.select %eq3A_310, %broadcast_in_dim3A_314, %select_n3A_295 : vector<16x1x1x1xi1>, vector<16x1x1x1xf32>
    %get3A_316 = arith.constant 0 : index
    %get3A_317 = arith.constant 0 : index
    %get3A_318 = arith.constant 0 : index
    %get3A_319 = arith.constant 0 : index
    %get3A_320 = vector.load %arg2[%get3A_316, %get3A_317, %get3A_318, %get3A_319] : memref<16x4x128x128xf32, #tpu.memory_space<vmem>>, vector<16x4x128x128xf32>
    %mul3A_321 = vector.broadcast %select_n3A_307 : vector<16x1x1x1xf32> to vector<16x4x128x128xf32>
    %mul3A_322 = arith.mulf %mul3A_321, %get3A_320 : vector<16x4x128x128xf32>
    %get3A_323 = arith.constant 0 : index
    %get3A_324 = arith.constant 0 : index
    %get3A_325 = arith.constant 0 : index
    %get3A_326 = arith.constant 0 : index
    %get3A_327 = vector.load %arg3[%get3A_323, %get3A_324, %get3A_325, %get3A_326] : memref<16x4x128x128xf32, #tpu.memory_space<vmem>>, vector<16x4x128x128xf32>
    %mul3A_328 = vector.broadcast %select_n3A_315 : vector<16x1x1x1xf32> to vector<16x4x128x128xf32>
    %mul3A_329 = arith.mulf %mul3A_328, %get3A_327 : vector<16x4x128x128xf32>
    %add3A_330 = arith.addf %mul3A_322, %mul3A_329 : vector<16x4x128x128xf32>
    %swap3A = arith.constant 0 : index
    %swap3A_331 = arith.constant 0 : index
    %swap3A_332 = arith.constant 0 : index
    %swap3A_333 = arith.constant 0 : index
    %swap3A_334 = vector.load %arg4[%swap3A, %swap3A_331, %swap3A_332, %swap3A_333] : memref<16x4x128x128xf32, #tpu.memory_space<vmem>>, vector<16x4x128x128xf32>
    tpu.vector_store %arg4[%swap3A, %swap3A_331, %swap3A_332, %swap3A_333], %add3A_330 {strides = array<i32>} : memref<16x4x128x128xf32, #tpu.memory_space<vmem>>, vector<16x4x128x128xf32>,
    return
  }
  func.func @transform_0(%arg0: i32, %arg1: memref<256xf32, #tpu.memory_space<smem>>) -> (i32, i32, i32, i32) {
    %c0_i32 = arith.constant 0 : i32
    %c0_i32_0 = arith.constant 0 : i32
    %c0_i32_1 = arith.constant 0 : i32
    %c0_i32_2 = arith.constant 0 : i32
    return %arg0, %c0_i32, %c0_i32_0, %c0_i32_1 : i32, i32, i32, i32
  }
  func.func @transform_1(%arg0: i32, %arg1: memref<256xf32, #tpu.memory_space<smem>>) -> (i32, i32, i32, i32) {
    %c0_i32 = arith.constant 0 : i32
    %c0_i32_0 = arith.constant 0 : i32
    %c0_i32_1 = arith.constant 0 : i32
    %c0_i32_2 = arith.constant 0 : i32
    return %arg0, %c0_i32, %c0_i32_0, %c0_i32_1 : i32, i32, i32, i32
  }
  func.func @transform_2(%arg0: i32, %arg1: memref<256xf32, #tpu.memory_space<smem>>) -> (i32, i32, i32, i32) {
    %c0_i32 = arith.constant 0 : i32
    %c0_i32_0 = arith.constant 0 : i32
    %c0_i32_1 = arith.constant 0 : i32
    %c0_i32_2 = arith.constant 0 : i32
    return %arg0, %c0_i32, %c0_i32_0, %c0_i32_1 : i32, i32, i32, i32
  }
}

</mosaic_0001>

<sc_bundles>
// kernel: kernel.4.cloned.1.call-start
scs
__scs_entry_jumppad:
0x0: {  	(pc) =	sbr.rel $0x88, $3  }
0x1: {  	(tag) =	ssettag $0x0;
	lr =	simm.s32 $0x1  }
0x2: {  	[smem:$0x3F9D] =	sst lr;
	_ =	strace $0xD0000000  }
0x3: {  	_ = 	snop  }
0x4: {  	_ = 	snop  }
0x5: {  	_ = 	snop  }
0x6: {  	_ = 	snop  }
0x7: {  	_ = 	snop  }
__scs_overlays_trampoline_lowered:
0x8: {  	[smem:$0x3FAC] =	sst s0  }
0x9: {  	[smem:$0x3FAD] =	sst s1  }
0xa: {  	[smem:$0x3FAE] =	sst s2  }
0xb: {  	[smem:$0x3FAF] =	sst s3  }
0xc: {  	[smem:$0x3FB0] =	sst s4  }
0xd: {  	[smem:$0x3FB1] =	sst s5  }
0xe: {  	[smem:$0x3FB2] =	sst s6  }
0xf: {  	[smem:$0x3FB3] =	sst s7  }
0x10: {  	[smem:$0x3FB4] =	sst s8  }
0x11: {  	[smem:$0x3FB5] =	sst s9;
	s0 =	simm.s32 @!p0 $0x0  }
0x12: {  	s1 =	sld [smem:$0x3F9B];
	s0 =	simm.s32 @p0 $0x1  }
0x13: {  	[smem:$0x3FB6] =	sst s0;
	s0 =	simm.s32 @!p1 $0x0  }
0x14: {  	s2 =	sld [smem:$0x3F9A];
	s0 =	simm.s32 @p1 $0x1  }
0x15: {  	[smem:$0x3FB7] =	sst s0;
	s0 =	simm.s32 @!p2 $0x0  }
0x16: {  	s3 =	sld [smem:$0x3FDB];
	s0 =	simm.s32 @p2 $0x1  }
0x17: {  	s4 =	simm.s32 $0x1BF5;
	[smem:$0x3FB9] =	sst s0  }
0x18: {  	s0 =	sld [smem:$0x3F9C];
	_ =	swait.ge [sflag:s4], $0x0  }
0x19: {  	s7 =	sld [smem:$0x3F9D]  }
0x1a: {  	s8 =	sadd.s32 $0xFFFFE003, lr  }
0x1b: {  	s9 =	sadd.s32 $0xFFFFFEF7, lr;
	s5 =	simm.s32 $0xFFFFFFFF;
	p2 =	slt.u32 s8, $0xFFFFF086  }
0x1c: {  	p1 =	slt.u32 s9, $0xF7A;
	s5 =	simm.s32 @!p2 $0x0  }
0x1d: {  	s5 =	simm.s32 @p1 $0x1;
	p0 =	seq.s32 s7, s2  }
0x1e: {  	s7 =	smul.u32 @!p0 $0xF7A, s2;
	p2 =	seq.s32 @!p0 s5, $0x0  }
0x1f: {  	s9 =	smul.u32 $0xF7A, s1;
	s8 =	simm.s32 @!p0 $0x1BF5;
	p2 =	por !p2, p0  }
0x20: {  	[sflag:s8] =	ssyncset.s32 @!p0 $0xFFFFF086;
	s6 =	sadd.s32 @!p0 s3, s7;
	s7 =	simm.s32 @!p0 $0x108  }
0x21: {  	s3 =	sadd.s32 s3, s9;
	s6 =	sadd.s32 @!p0 $0x88, s6;
	s7 =	simm.s32 @p2 $0x1082  }
0x22: {  	[simem:s7], [sflag:s8] =	dma.local @!p0 [hbm:s6], $0xF7A  }
0x23: {  	s9 =	sor.u32 $0xD0000000, s2;
	s6 =	simm.s32 $0x108;
	_ =	swait.ge @!p0 [sflag:s8], $0x0  }
0x24: {  	s3 =	sadd.s32 $0x88, s3;
	s6 =	simm.s32 @!p1 $0x1082;
	[sflag:s4] =	ssyncset.s32 $0xFFFFF086  }
0x25: {  	[simem:s6], [sflag:s4] =	dma.local [hbm:s3], $0xF7A  }
0x26: {  	[smem:$0x3F9D] =	sst s1;
	(tag) =	ssettag s2;
	_ =	strace s9  }
0x27: {  	s1 =	sld [smem:$0x3FAD]  }
0x28: {  	s2 =	sld [smem:$0x3FAE]  }
0x29: {  	s4 =	sld [smem:$0x3FB0]  }
0x2a: {  	p0 =	seq.s32 s5, $0x0;
	s5 =	sld [smem:$0x3FB1]  }
0x2b: {  	s6 =	sld [smem:$0x3FB2]  }
0x2c: {  	s7 =	sld [smem:$0x3FB3]  }
0x2d: {  	s3 =	simm.s32 $0x108;
	s8 =	sld [smem:$0x3FB4]  }
0x2e: {  	s3 =	simm.s32 @!p0 $0x1082;
	s9 =	sld [smem:$0x3FB5]  }
0x2f: {  	lr =	sadd.s32 s0, s3;
	s0 =	sld [smem:$0x3FAC]  }
0x30: {  	s3 =	sld [smem:$0x3FAF]  }
0x31: {  	[smem:$0x3FB8] =	sst s10  }
0x32: {  	s10 =	sld [smem:$0x3FB6];
	_ =	sdelay $0x3  }
0x33: {  	p0 =	seq.s32 s10, $0x1;
	s10 =	sld [smem:$0x3FB8];
	_ =	sdelay $0x3  }
0x34: {  	[smem:$0x3FB8] =	sst s10  }
0x35: {  	s10 =	sld [smem:$0x3FB7];
	_ =	sdelay $0x3  }
0x36: {  	p1 =	seq.s32 s10, $0x1;
	s10 =	sld [smem:$0x3FB8];
	_ =	sdelay $0x3  }
0x37: {  	[smem:$0x3FB8] =	sst s10  }
0x38: {  	s10 =	sld [smem:$0x3FB9]  }
0x39: {  	_ = 	snop;
	(pc) =	sbr.ind lr, $3  }
0x3a: {  	_ = 	snop  }
0x3b: {  	_ = 	snop  }
0x3c: {  	p2 =	seq.s32 s10, $0x1;
	s10 =	sld [smem:$0x3FB8]  }
0x3d: {  	_ =	shalt  }
0x3e: {  	_ =	shalt  }
0x3f: {  	_ =	shalt  }
0x40: {  	_ =	shalt  }
0x41: {  	_ =	shalt  }
0x42: {  	_ =	shalt  }
0x43: {  	_ =	shalt  }
0x44: {  	_ =	shalt  }
0x45: {  	_ =	shalt  }
0x46: {  	_ =	shalt  }
0x47: {  	_ =	shalt  }
0x48: {  	_ =	shalt  }
0x49: {  	_ =	shalt  }
0x4a: {  	_ =	shalt  }
0x4b: {  	_ =	shalt  }
0x4c: {  	_ =	shalt  }
0x4d: {  	_ =	shalt  }
0x4e: {  	_ =	shalt  }
0x4f: {  	_ =	shalt  }
0x50: {  	_ =	shalt  }
0x51: {  	_ =	shalt  }
0x52: {  	_ =	shalt  }
0x53: {  	_ =	shalt  }
0x54: {  	_ =	shalt  }
0x55: {  	_ =	shalt  }
0x56: {  	_ =	shalt  }
0x57: {  	_ =	shalt  }
0x58: {  	_ =	shalt  }
0x59: {  	_ =	shalt  }
0x5a: {  	_ =	shalt  }
0x5b: {  	_ =	shalt  }
0x5c: {  	_ =	shalt  }
0x5d: {  	_ =	shalt  }
0x5e: {  	_ =	shalt  }
0x5f: {  	_ =	shalt  }
0x60: {  	_ =	shalt  }
0x61: {  	_ =	shalt  }
0x62: {  	_ =	shalt  }
0x63: {  	_ =	shalt  }
0x64: {  	_ =	shalt  }
0x65: {  	_ =	shalt  }
0x66: {  	_ =	shalt  }
0x67: {  	_ =	shalt  }
0x68: {  	_ =	shalt  }
0x69: {  	_ =	shalt  }
0x6a: {  	_ =	shalt  }
0x6b: {  	_ =	shalt  }
0x6c: {  	_ =	shalt  }
0x6d: {  	_ =	shalt  }
0x6e: {  	_ =	shalt  }
0x6f: {  	_ =	shalt  }
0x70: {  	_ =	shalt  }
0x71: {  	_ =	shalt  }
0x72: {  	_ =	shalt  }
0x73: {  	_ =	shalt  }
0x74: {  	_ =	shalt  }
0x75: {  	_ =	shalt  }
0x76: {  	_ =	shalt  }
0x77: {  	_ =	shalt  }
0x78: {  	_ =	shalt  }
0x79: {  	_ =	shalt  }
0x7a: {  	_ =	shalt  }
0x7b: {  	_ =	shalt  }
0x7c: {  	_ =	shalt  }
0x7d: {  	_ =	shalt  }
0x7e: {  	_ =	shalt  }
0x7f: {  	_ =	shalt  }
0x80: {  	_ =	shalt  }
0x81: {  	_ =	shalt  }
0x82: {  	_ =	shalt  }
0x83: {  	_ =	shalt  }
0x84: {  	_ =	shalt  }
0x85: {  	_ =	shalt  }
0x86: {  	_ =	shalt  }
0x87: {  	_ =	shalt  }
.Lfunc_end0:
.L_simem_size_0:
called_computation_lowered:
.L_overlay_start_0:
0x88: {  	s2 =	sld [smem:$0x3FD9]  }
0x89: {  	s3 =	sld [smem:$0x3FFE];
	_ =	sdelay $0x1  }
0x8a: {  	s1 =	srdreg.scid  }
0x8b: {  	s0 =	sand.u32 $0x1, s1  }
0x8c: {  	s17 =	sshll.u32 s0, $0xA;
	s2 =	sadd.s32 s3, s2  }
0x8d: {  	s2 =	sadd.s32 s2, s17  }
0x8e: {  	[smem:$0x3FC4] =	sst s2  }
0x8f: {  	_ = 	snop  }
0x90: {  	s2 =	sld [smem:$0x3FC7]  }
0x91: {  	s18 =	sld [smem:$0x3FC6];
	(tm) =	ssettm $0x1  }
0x92: {  	s4 =	sld [smem:$0x3FFB];
	_ =	sdelay $0x3  }
0x93: {  	_ =	strace s4  }
0x94: {  	s4 =	sld [smem:$0x3FFC];
	_ =	sdelay $0x3  }
0x95: {  	_ =	strace s4  }
0x96: {  	s4 =	sld [smem:$0x3FFD];
	_ =	sdelay $0x3  }
0x97: {  	_ =	strace s4  }
0x98: {  	_ =	strace $0x8FFFFFFF  }
0x99: {  	s19 =	sld [smem:$0x3FDB];
	_ =	sdelay $0x1  }
0x9a: {  	s5 =	simm.s32 $_scs_section_size  }
0x9b: {  	s6 =	simm.s32 $_size__tile_overlayer_lowered;
	s7 =	simm.s32 $_tile_overlayer_lowered  }
0x9c: {  	s22 =	simm.s32 $0x1BFF;
	s21 =	sshll.u32 s7, $0x1;
	s4 =	sadd.s32 s5, s19  }
0x9d: {  	s8 =	simm.s32 $0x0;
	s20 =	sshll.u32 s6, $0x1;
	s6 =	sadd.s32 s21, s4  }
0x9e: {  	[timem:s8], [sflag:s22] =	dma.local [hbm:s6], s20  }
0x9f: {  	_ =	swait.ge [sflag:s22], s20  }
0xa0: {  	s5 =	ssub.s32 $0x0, s20;
	[sflag:s22] =	ssyncset.done $0x0  }
0xa1: {  	[sflag:s22] =	ssyncadd.s32 s5;
	_ =	sdelay $0x1  }
0xa2: {  	s23 =	simm.s32 $0x1B8B  }
0xa3: {  	_ =	swait.ge [sflag:s23], $0x1  }
0xa4: {  	[sflag:s23] =	ssyncset.done $0x0  }
0xa5: {  	s25 =	simm.s32 $0x1B8E;
	s24 =	sld [smem:$0x3FFE];
	[sflag:s23] =	ssyncadd.s32 $0xFFFFFFFF  }
0xa6: {  	s26 =	simm.s32 $execute0_lowered;
	[smem:$0x3FD2] =	sst s25  }
0xa7: {  	s6 =	sshll.u32 s26, $0x1;
	_ =	strace $0x80000046;
	[dreg:$0x1] =	wrdreg $0xFFFFFFFF  }
0xa8: {  	s28 =	simm.s32 $_size_execute0_lowered;
	s4 =	sadd.s32 s4, s6;
	[dreg:$0x0] =	wrdreg $0x0  }
0xa9: {  	s6 =	sshll.u32 s28, $0x1;
	[dreg:$0x2] =	wrdreg s4  }
0xaa: {  	[dreg:$0x3] =	wrdreg s6  }
0xab: {  	[dreg:$0x4] =	wrdreg $0xC0  }
0xac: {  	_ =	task [dreg:s8], $0x5FFFF  }
0xad: {  	[dreg:$0x1] =	wrdreg $0xFFFFFFFF  }
0xae: {  	[dreg:$0x0] =	wrdreg $0x60  }
0xaf: {  	[dreg:$0x2] =	wrdreg s2  }
0xb0: {  	[dreg:$0x3] =	wrdreg s18  }
0xb1: {  	[dreg:$0x4] =	wrdreg s24  }
0xb2: {  	[dreg:$0x5] =	wrdreg $0x9  }
0xb3: {  	_ =	task.clear_ibuf [dreg:s8], $0x6FFFF;
	_ =	strace $0x90000046  }
0xb4: {  	s29 =	simm.s32 $0x9;
	_ =	strace $0x80000048  }
0xb5: {  	_ =	swait.ge [sflag:s29], $0x1  }
0xb6: {  	[sflag:s29] =	ssyncadd.s32 $0xFFFFFFFF  }
0xb7: {  	_ =	strace $0x90000048  }
0xb8: {  	_ =	sfence  }
0xb9: {  	s30 =	sld [smem:$0x0];
	_ =	sdelay $0x2  }
0xba: {  	s31 =	sshll.u32 s1, $0xD;
	s1 =	sshrl.u32 s1, $0x2  }
0xbb: {  	s3 =	sand.u32 $0x4000, s31;
	s1 =	sadd.s32 s1, s30  }
0xbc: {  	s0 =	sor.u32 s3, s0;
	s1 =	sshll.u32 s1, $0x11  }
0xbd: {  	s0 =	sor.u32 s1, s0  }
0xbe: {  	s0 =	sadd.s32 $0x8F2B, s0  }
0xbf: {  	[sflag:s0] =	ssyncadd.remote.s32 $0x1  }
0xc0: {  	_ =	sfence.sel $0xFFFF  }
0xc1: {  	[dreg:$0x0] =	wrdreg $0xFFFFFFFF;
	(pc) =	sbr.abs _section_cstart, $3  }
0xc2: {  	[dreg:$0x1] =	wrdreg $0xFFFFFFFF  }
0xc3: {  	_ =	task.clear_ibuf [dreg:s8], $0x2FFFF;
	_ =	strace $0x9FFFFFFF  }
0xc4: {  	(tm) =	ssettm $0x7FFFFFFF  }
0xc5: {  	_ =	shalt  }
tec
execute0_lowered:
.L_overlay_start_1:
0x0: {  	(tag) =	ssettag $0x1  }
0x1: {  	s1 =	stileid.u32  }
0x2: {  	p0 =	sgt.u32 s1, $0x7  }
.Ltmp0:
0x3: {  	s4 =	rddreg [dreg:$0x0];
	(pc) =	sbr.rel @p0 .LBB2_4-.Ltmp0, $4  }
0x4: {  	s2 =	rddreg [dreg:$0x1]  }
0x5: {  	s7 =	rddreg [dreg:$0x2];
	s3 =	simm.s32 $0x0  }
0x6: {  	[smem:$0x7FF] =	sst s3  }
0x7: {  	s0 =	rddreg [dreg:$0x3];
	_ =	strace $0x80000047  }
0x8: {  	s5 =	srdreg.scid  }
0x9: {  	s8 =	sand.u32 $0x1, s5  }
0xa: {  	s30 =	sshll.u32 s1, $0x2;
	s6 =	sshll.u32 s8, $0x1  }
0xb: {  	s9 =	sor.u32 s6, s30  }
0xc: {  	s5 =	sadd.s32 s4, s9;
	s4 =	simm.s32 $0x1  }
0xd: {  	[tilespmem:s3], [sflag:$0x1] =	stream.linear.gather [hbm4b:s5+s3], $0x10, $0x38;
	[tilespmem:$0x500] =	vst v63  }
0xe: {  	_ =	swait.ge [sflag:s4], $0x10  }
0xf: {  	[sflag:s4] =	ssyncset.done $0x0  }
0x10: {  	s6 =	simm.s32 $0x80;
	[sflag:s4] =	ssyncadd.s32 $0xFFFFFFF0  }
0x11: {  	[tilespmem:s6], [sflag:$0x1] =	stream.linear.gather [hbm4b:s2+s3], $0x400, $0x38;
	[tilespmem:$0x500] =	vst v63  }
0x12: {  	_ =	swait.ge [sflag:s4], $0x400  }
0x13: {  	[sflag:s4] =	ssyncset.done $0x0  }
0x14: {  	[sflag:s4] =	ssyncadd.s32 $0xFFFFFC00  }
0x15: {  	v0 =	vld [tilespmem:$0x0];
	_ =	sdelay $0x6  }
0x16: {  	s8 =	ssub.s32 $0x2, s8  }
0x17: {  	s10 =	sshrl.u32 s8, $0x1;
	v0 =	vld.idx.msk [tilespmem:v0+s6+$0x0], $0xffff  }
0x18: {  	s8 =	ssub.s32 s8, s10  }
0x19: {  	s31 =	smax.u32 s8, $0x1  }
0x1a: {  	p0 =	sne.s32 s31, $0x1  }
.Ltmp1:
0x1b: {  	s7 =	sadd.s32 s9, s7;
	(pc) =	sbr.rel @!p0 .LBB2_3-.Ltmp1, $4  }
0x1c: {  	s7 =	sadd.s32 $0x400, s7;
	s8 =	simm.s32 $0x480;
	[tilespmem:$0x480] =	vst v0  }
0x1d: {  	[hbm4b:s7+s3] =	stream.linear.scatter [tilespmem:s8], [sflag:$0x1], $0x10, $0x38;
	[tilespmem:$0x500] =	vst v63  }
0x1e: {  	_ =	swait.ge [sflag:s4], $0x10  }
0x1f: {  	s9 =	sadd.s32 $0xFFFFFFFF, s31;
	[sflag:s4] =	ssyncset.done $0x0  }
.LBB2_2:
0x20: {  	p0 =	sne.s32 s9, $0x1;
	s9 =	sadd.s32 $0xFFFFFFFF, s9;
	[sflag:s4] =	ssyncadd.s32 $0xFFFFFFF0  }
0x21: {  	[tilespmem:s3], [sflag:$0x1] =	stream.linear.gather [hbm4b:s5+s3], $0x10, $0x38;
	[tilespmem:$0x500] =	vst v63  }
0x22: {  	_ =	swait.ge [sflag:s4], $0x10  }
0x23: {  	[sflag:s4] =	ssyncset.done $0x0  }
0x24: {  	[sflag:s4] =	ssyncadd.s32 $0xFFFFFFF0  }
0x25: {  	[tilespmem:s6], [sflag:$0x1] =	stream.linear.gather [hbm4b:s2+s3], $0x400, $0x38;
	[tilespmem:$0x500] =	vst v63  }
0x26: {  	_ =	swait.ge [sflag:s4], $0x400  }
0x27: {  	[sflag:s4] =	ssyncset.done $0x0  }
0x28: {  	[sflag:s4] =	ssyncadd.s32 $0xFFFFFC00  }
0x29: {  	v0 =	vld [tilespmem:$0x0];
	_ =	sdelay $0x7  }
0x2a: {  	v0 =	vld.idx.msk [tilespmem:v0+s6+$0x0], $0xffff;
	_ =	sdelay $0x4  }
.Ltmp2:
0x2b: {  	(pc) =	sbr.rel @p0 .LBB2_2-.Ltmp2, $4  }
0x2c: {  	[tilespmem:$0x480] =	vst v0  }
0x2d: {  	[hbm4b:s7+s3] =	stream.linear.scatter [tilespmem:s8], [sflag:$0x1], $0x10, $0x38;
	[tilespmem:$0x500] =	vst v63  }
0x2e: {  	_ =	swait.ge [sflag:s4], $0x10  }
0x2f: {  	[sflag:s4] =	ssyncset.done $0x0  }
.LBB2_3:
0x30: {  	[sflag:s4] =	ssyncadd.s32 $0xFFFFFFF0  }
.LBB2_4:
0x31: {  	_ =	sfence.sel $0x180000  }
0x32: {  	[bflag:$0x0] =	sbarrier.arrive $0xFFFF  }
0x33: {  	p0 =	sne.s32 s1, $0x0;
	_ =	strace $0x90000047  }
0x34: {  	s0 =	sadd.s32 @!p0 $0x100000, s0;
	[bflag:$0x2] =	sbarrier.arrive $0xFFFF  }
0x35: {  	[sflag:s0] =	ssyncadd.tile.s32 @!p0 $0x1;
	_ =	shalt  }
.Lfunc_end2:
_tile_overlayer_lowered:
.L_overlay_start_2:
0x36: {  	(tag) =	ssettag $0x2  }
0x37: {  	s0 =	rddreg [dreg:$0x0];
	s2 =	stileid.u32  }
0x38: {  	s1 =	rddreg [dreg:$0x1];
	p0 =	sne.s32 s2, $0x0  }
0x39: {  	s3 =	rddreg [dreg:$0x2];
	[bflag:$0x3] =	sbarrier.arrive $0xFFFF;
	s2 =	simm.s32 @!p0 $0x1C01  }
0x3a: {  	[timem:s3], [sflag:s2] =	dma.local @!p0 [hbm:s0], s1  }
0x3b: {  	s0 =	simm.s32 @!p0 $0x1  }
0x3c: {  	_ =	swait.ge @!p0 [sflag:s0], s1  }
0x3d: {  	s1 =	ssub.s32 @!p0 $0x0, s1;
	[sflag:s0] =	ssyncset.done @!p0 $0x0  }
0x3e: {  	[sflag:s0] =	ssyncadd.s32 @!p0 s1  }
0x3f: {  	[bflag:$0x3] =	sbarrier.arrive $0xFFFF  }
0x40: {  	_ =	shalt  }

</sc_bundles>
